<compile_context>
chip_gen: v7x
topology: tpu7x:2x2x1
jax: 0.10.2.dev20260603
libtpu: 0.0.44.dev20260713+nightly
codegen_flags: <defaults>
</compile_context>

<pallas_src>
import functools

import jax
import jax.numpy as jnp
from jax import lax
from jax.experimental import pallas as pl
from jax.experimental.pallas import tpu as pltpu
from jax.experimental.pallas import tpu_sc as plsc

N_FILTER = 256
KEEP = 48 * N_FILTER
ROWS = 1024
NW = 32
ROWS_PER_W = ROWS // NW
CHUNK = 4
NCHUNK = ROWS_PER_W // CHUNK


def _sc_copy(in_hbm, out_hbm, buf0, buf1, s_in0, s_in1, s_out0, s_out1):
    wid = lax.axis_index("s") * 2 + lax.axis_index("c")
    base = wid * ROWS_PER_W
    bufs = (buf0, buf1)
    s_in = (s_in0, s_in1)
    s_out = (s_out0, s_out1)
    for i in range(NCHUNK):
        b = i % 2
        r = base + i * CHUNK
        if i >= 2:
            pltpu.make_async_copy(
                bufs[b], out_hbm.at[pl.ds(r - 2 * CHUNK, CHUNK), :], s_out[b]
            ).wait()
        pltpu.async_copy(
            in_hbm.at[pl.ds(r, CHUNK), pl.ds(0, KEEP)], bufs[b], s_in[b]
        ).wait()
        pltpu.async_copy(bufs[b], out_hbm.at[pl.ds(r, CHUNK), :], s_out[b])
    for i in range(NCHUNK - 2, NCHUNK):
        b = i % 2
        r = base + i * CHUNK
        pltpu.make_async_copy(
            bufs[b], out_hbm.at[pl.ds(r, CHUNK), :], s_out[b]
        ).wait()


def kernel(inputs):
    mesh = plsc.VectorSubcoreMesh(core_axis_name="c", subcore_axis_name="s")
    k = functools.partial(
        pl.kernel,
        mesh=mesh,
        out_type=jax.ShapeDtypeStruct((ROWS, KEEP), inputs.dtype),
        scratch_types=[
            pltpu.VMEM((CHUNK, KEEP), jnp.float32),
            pltpu.VMEM((CHUNK, KEEP), jnp.float32),
            pltpu.SemaphoreType.DMA,
            pltpu.SemaphoreType.DMA,
            pltpu.SemaphoreType.DMA,
            pltpu.SemaphoreType.DMA,
        ],
    )(_sc_copy)
    return k(inputs)

# --- scband reference (transcript-rebuilt; emitter-appended) ---
"""Pipeline reference for scband-mask-layer-17841294148111 (READ-ONLY COPY).

The authoritative reference and input builder live on the scoring server;
editing this copy changes nothing except your own understanding.
"""

import jax, jax.numpy as jnp
import numpy as np

N_FILTER = 256
L = 128
ARR_MASK = np.array([True] * 48 + [False] * (L - 48))
# Original TF logic: arrayMask shape [1, L]; repeat nFilter times on axis 0 -> [nFilter, L];
# stack(axis=1) -> [L, nFilter]; reshape(-1) -> mask_full[l*nFilter + f] = ARR_MASK[l]
MASK_FULL = np.repeat(ARR_MASK, N_FILTER)  # shape [L * nFilter] = [32768]
IDX = np.nonzero(MASK_FULL)[0].astype(np.int32)  # 48 * 256 = 12288 kept columns


def setup_inputs(seed: int = 0) -> dict:
    key = jax.random.key(seed)
    inputs = jax.random.normal(key, (1024, L * N_FILTER), dtype=jnp.float32)
    return {"inputs": inputs}


def reference(inputs):
    # tf.boolean_mask(inputs, mask, axis=1) == gather of the True columns
    idx = jnp.asarray(IDX)
    out = jnp.take(inputs, idx, axis=1)
    # reshape to (batch, 48 * nFilter) exactly as the original module does
    return out.reshape(inputs.shape[0], 48 * N_FILTER)

if __name__ == "__main__":
    import jax
    _d = setup_inputs()
    print(jax.jit(kernel)(*tuple(_d.values())))

</pallas_src>

<mosaic_0001>
#map = affine_map<(d0, d1) -> (0, 0)>
module attributes {stable_mosaic.version = 14 : i64} {
  func.func @_sc_copy(%arg0: i32, %arg1: i32, %arg2: memref<1024x32768xf32, #tpu.memory_space<hbm>>, %arg3: memref<1024x12288xf32, #tpu.memory_space<hbm>>, %arg4: memref<4x12288xf32, #tpu.memory_space<vmem>>, %arg5: memref<4x12288xf32, #tpu.memory_space<vmem>>, %arg6: memref<!tpu.dma_semaphore, #tpu.memory_space<semaphore_mem>>, %arg7: memref<!tpu.dma_semaphore, #tpu.memory_space<semaphore_mem>>, %arg8: memref<!tpu.dma_semaphore, #tpu.memory_space<semaphore_mem>>, %arg9: memref<!tpu.dma_semaphore, #tpu.memory_space<semaphore_mem>>) attributes {dimension_semantics = [#tpu.dimension_semantics<core_parallel>, #tpu.dimension_semantics<subcore_parallel>], iteration_bounds = array<i64: 2, 16>, scalar_prefetch = 0 : i64, scratch_operands = 6 : i64, tpu.core_type = #tpu.core_type<sc_vector_subcore>, window_params = [{transform_indices = #map}, {transform_indices = #map}]} {
    %mul3A = arith.constant 2 : i32
    %mul3A_0 = arith.muli %arg1, %mul3A : i32
    %add3A = arith.addi %mul3A_0, %arg0 : i32
    %mul3A_1 = arith.constant 32 : i32
    %mul3A_2 = arith.muli %add3A, %mul3A_1 : i32
    %add3A_3 = arith.constant 0 : i32
    %add3A_4 = arith.addi %mul3A_2, %add3A_3 : i32
    %dma_start3A = arith.constant 0 : i32
    %dma_start3A_5 = tpu.memref_slice %arg2[%add3A_4, %dma_start3A] : memref<1024x32768xf32, #tpu.memory_space<hbm>> -> memref<4x12288xf32, #tpu.memory_space<hbm>>
    %dma_start3A_6 = arith.constant 0 : i32
    %dma_start3A_7 = tpu.memref_slice %arg2[%add3A_4, %dma_start3A_6] : memref<1024x32768xf32, #tpu.memory_space<hbm>> -> memref<4x12288xf32, #tpu.memory_space<hbm>>
    tpu.enqueue_dma source(%dma_start3A_7 : memref<4x12288xf32, #tpu.memory_space<hbm>>) target(%arg4 : memref<4x12288xf32, #tpu.memory_space<vmem>>) target_semaphore(%arg6 : memref<!tpu.dma_semaphore, #tpu.memory_space<semaphore_mem>>)
    %dma_wait3A = arith.constant 0 : i32
    %dma_wait3A_8 = tpu.memref_slice %arg2[%add3A_4, %dma_wait3A] : memref<1024x32768xf32, #tpu.memory_space<hbm>> -> memref<4x12288xf32, #tpu.memory_space<hbm>>
    %dma_wait3A_9 = arith.constant 0 : i32
    %dma_wait3A_10 = tpu.memref_slice %arg2[%add3A_4, %dma_wait3A_9] : memref<1024x32768xf32, #tpu.memory_space<hbm>> -> memref<4x12288xf32, #tpu.memory_space<hbm>>
    tpu.wait_dma2 semaphore(%arg6 : memref<!tpu.dma_semaphore, #tpu.memory_space<semaphore_mem>>) src(%dma_wait3A_10 : memref<4x12288xf32, #tpu.memory_space<hbm>>) dst(%arg4 : memref<4x12288xf32, #tpu.memory_space<vmem>>)
    %dma_start3A_11 = arith.constant 0 : i32
    %dma_start3A_12 = tpu.memref_slice %arg3[%add3A_4, %dma_start3A_11] : memref<1024x12288xf32, #tpu.memory_space<hbm>> -> memref<4x12288xf32, #tpu.memory_space<hbm>>
    %dma_start3A_13 = arith.constant 0 : i32
    %dma_start3A_14 = tpu.memref_slice %arg3[%add3A_4, %dma_start3A_13] : memref<1024x12288xf32, #tpu.memory_space<hbm>> -> memref<4x12288xf32, #tpu.memory_space<hbm>>
    tpu.enqueue_dma source(%arg4 : memref<4x12288xf32, #tpu.memory_space<vmem>>) target(%dma_start3A_14 : memref<4x12288xf32, #tpu.memory_space<hbm>>) target_semaphore(%arg8 : memref<!tpu.dma_semaphore, #tpu.memory_space<semaphore_mem>>)
    %add3A_15 = arith.constant 4 : i32
    %add3A_16 = arith.addi %mul3A_2, %add3A_15 : i32
    %dma_start3A_17 = arith.constant 0 : i32
    %dma_start3A_18 = tpu.memref_slice %arg2[%add3A_16, %dma_start3A_17] : memref<1024x32768xf32, #tpu.memory_space<hbm>> -> memref<4x12288xf32, #tpu.memory_space<hbm>>
    %dma_start3A_19 = arith.constant 0 : i32
    %dma_start3A_20 = tpu.memref_slice %arg2[%add3A_16, %dma_start3A_19] : memref<1024x32768xf32, #tpu.memory_space<hbm>> -> memref<4x12288xf32, #tpu.memory_space<hbm>>
    tpu.enqueue_dma source(%dma_start3A_20 : memref<4x12288xf32, #tpu.memory_space<hbm>>) target(%arg5 : memref<4x12288xf32, #tpu.memory_space<vmem>>) target_semaphore(%arg7 : memref<!tpu.dma_semaphore, #tpu.memory_space<semaphore_mem>>)
    %dma_wait3A_21 = arith.constant 0 : i32
    %dma_wait3A_22 = tpu.memref_slice %arg2[%add3A_16, %dma_wait3A_21] : memref<1024x32768xf32, #tpu.memory_space<hbm>> -> memref<4x12288xf32, #tpu.memory_space<hbm>>
    %dma_wait3A_23 = arith.constant 0 : i32
    %dma_wait3A_24 = tpu.memref_slice %arg2[%add3A_16, %dma_wait3A_23] : memref<1024x32768xf32, #tpu.memory_space<hbm>> -> memref<4x12288xf32, #tpu.memory_space<hbm>>
    tpu.wait_dma2 semaphore(%arg7 : memref<!tpu.dma_semaphore, #tpu.memory_space<semaphore_mem>>) src(%dma_wait3A_24 : memref<4x12288xf32, #tpu.memory_space<hbm>>) dst(%arg5 : memref<4x12288xf32, #tpu.memory_space<vmem>>)
    %dma_start3A_25 = arith.constant 0 : i32
    %dma_start3A_26 = tpu.memref_slice %arg3[%add3A_16, %dma_start3A_25] : memref<1024x12288xf32, #tpu.memory_space<hbm>> -> memref<4x12288xf32, #tpu.memory_space<hbm>>
    %dma_start3A_27 = arith.constant 0 : i32
    %dma_start3A_28 = tpu.memref_slice %arg3[%add3A_16, %dma_start3A_27] : memref<1024x12288xf32, #tpu.memory_space<hbm>> -> memref<4x12288xf32, #tpu.memory_space<hbm>>
    tpu.enqueue_dma source(%arg5 : memref<4x12288xf32, #tpu.memory_space<vmem>>) target(%dma_start3A_28 : memref<4x12288xf32, #tpu.memory_space<hbm>>) target_semaphore(%arg9 : memref<!tpu.dma_semaphore, #tpu.memory_space<semaphore_mem>>)
    %add3A_29 = arith.constant 8 : i32
    %add3A_30 = arith.addi %mul3A_2, %add3A_29 : i32
    %sub3A = arith.constant 8 : i32
    %sub3A_31 = arith.subi %add3A_30, %sub3A : i32
    %dma_wait3A_32 = arith.constant 0 : i32
    %dma_wait3A_33 = tpu.memref_slice %arg3[%sub3A_31, %dma_wait3A_32] : memref<1024x12288xf32, #tpu.memory_space<hbm>> -> memref<4x12288xf32, #tpu.memory_space<hbm>>
    %dma_wait3A_34 = arith.constant 0 : i32
    %dma_wait3A_35 = tpu.memref_slice %arg3[%sub3A_31, %dma_wait3A_34] : memref<1024x12288xf32, #tpu.memory_space<hbm>> -> memref<4x12288xf32, #tpu.memory_space<hbm>>
    tpu.wait_dma2 semaphore(%arg8 : memref<!tpu.dma_semaphore, #tpu.memory_space<semaphore_mem>>) src(%arg4 : memref<4x12288xf32, #tpu.memory_space<vmem>>) dst(%dma_wait3A_35 : memref<4x12288xf32, #tpu.memory_space<hbm>>)
    %dma_start3A_36 = arith.constant 0 : i32
    %dma_start3A_37 = tpu.memref_slice %arg2[%add3A_30, %dma_start3A_36] : memref<1024x32768xf32, #tpu.memory_space<hbm>> -> memref<4x12288xf32, #tpu.memory_space<hbm>>
    %dma_start3A_38 = arith.constant 0 : i32
    %dma_start3A_39 = tpu.memref_slice %arg2[%add3A_30, %dma_start3A_38] : memref<1024x32768xf32, #tpu.memory_space<hbm>> -> memref<4x12288xf32, #tpu.memory_space<hbm>>
    tpu.enqueue_dma source(%dma_start3A_39 : memref<4x12288xf32, #tpu.memory_space<hbm>>) target(%arg4 : memref<4x12288xf32, #tpu.memory_space<vmem>>) target_semaphore(%arg6 : memref<!tpu.dma_semaphore, #tpu.memory_space<semaphore_mem>>)
    %dma_wait3A_40 = arith.constant 0 : i32
    %dma_wait3A_41 = tpu.memref_slice %arg2[%add3A_30, %dma_wait3A_40] : memref<1024x32768xf32, #tpu.memory_space<hbm>> -> memref<4x12288xf32, #tpu.memory_space<hbm>>
    %dma_wait3A_42 = arith.constant 0 : i32
    %dma_wait3A_43 = tpu.memref_slice %arg2[%add3A_30, %dma_wait3A_42] : memref<1024x32768xf32, #tpu.memory_space<hbm>> -> memref<4x12288xf32, #tpu.memory_space<hbm>>
    tpu.wait_dma2 semaphore(%arg6 : memref<!tpu.dma_semaphore, #tpu.memory_space<semaphore_mem>>) src(%dma_wait3A_43 : memref<4x12288xf32, #tpu.memory_space<hbm>>) dst(%arg4 : memref<4x12288xf32, #tpu.memory_space<vmem>>)
    %dma_start3A_44 = arith.constant 0 : i32
    %dma_start3A_45 = tpu.memref_slice %arg3[%add3A_30, %dma_start3A_44] : memref<1024x12288xf32, #tpu.memory_space<hbm>> -> memref<4x12288xf32, #tpu.memory_space<hbm>>
    %dma_start3A_46 = arith.constant 0 : i32
    %dma_start3A_47 = tpu.memref_slice %arg3[%add3A_30, %dma_start3A_46] : memref<1024x12288xf32, #tpu.memory_space<hbm>> -> memref<4x12288xf32, #tpu.memory_space<hbm>>
    tpu.enqueue_dma source(%arg4 : memref<4x12288xf32, #tpu.memory_space<vmem>>) target(%dma_start3A_47 : memref<4x12288xf32, #tpu.memory_space<hbm>>) target_semaphore(%arg8 : memref<!tpu.dma_semaphore, #tpu.memory_space<semaphore_mem>>)
    %add3A_48 = arith.constant 12 : i32
    %add3A_49 = arith.addi %mul3A_2, %add3A_48 : i32
    %sub3A_50 = arith.constant 8 : i32
    %sub3A_51 = arith.subi %add3A_49, %sub3A_50 : i32
    %dma_wait3A_52 = arith.constant 0 : i32
    %dma_wait3A_53 = tpu.memref_slice %arg3[%sub3A_51, %dma_wait3A_52] : memref<1024x12288xf32, #tpu.memory_space<hbm>> -> memref<4x12288xf32, #tpu.memory_space<hbm>>
    %dma_wait3A_54 = arith.constant 0 : i32
    %dma_wait3A_55 = tpu.memref_slice %arg3[%sub3A_51, %dma_wait3A_54] : memref<1024x12288xf32, #tpu.memory_space<hbm>> -> memref<4x12288xf32, #tpu.memory_space<hbm>>
    tpu.wait_dma2 semaphore(%arg9 : memref<!tpu.dma_semaphore, #tpu.memory_space<semaphore_mem>>) src(%arg5 : memref<4x12288xf32, #tpu.memory_space<vmem>>) dst(%dma_wait3A_55 : memref<4x12288xf32, #tpu.memory_space<hbm>>)
    %dma_start3A_56 = arith.constant 0 : i32
    %dma_start3A_57 = tpu.memref_slice %arg2[%add3A_49, %dma_start3A_56] : memref<1024x32768xf32, #tpu.memory_space<hbm>> -> memref<4x12288xf32, #tpu.memory_space<hbm>>
    %dma_start3A_58 = arith.constant 0 : i32
    %dma_start3A_59 = tpu.memref_slice %arg2[%add3A_49, %dma_start3A_58] : memref<1024x32768xf32, #tpu.memory_space<hbm>> -> memref<4x12288xf32, #tpu.memory_space<hbm>>
    tpu.enqueue_dma source(%dma_start3A_59 : memref<4x12288xf32, #tpu.memory_space<hbm>>) target(%arg5 : memref<4x12288xf32, #tpu.memory_space<vmem>>) target_semaphore(%arg7 : memref<!tpu.dma_semaphore, #tpu.memory_space<semaphore_mem>>)
    %dma_wait3A_60 = arith.constant 0 : i32
    %dma_wait3A_61 = tpu.memref_slice %arg2[%add3A_49, %dma_wait3A_60] : memref<1024x32768xf32, #tpu.memory_space<hbm>> -> memref<4x12288xf32, #tpu.memory_space<hbm>>
    %dma_wait3A_62 = arith.constant 0 : i32
    %dma_wait3A_63 = tpu.memref_slice %arg2[%add3A_49, %dma_wait3A_62] : memref<1024x32768xf32, #tpu.memory_space<hbm>> -> memref<4x12288xf32, #tpu.memory_space<hbm>>
    tpu.wait_dma2 semaphore(%arg7 : memref<!tpu.dma_semaphore, #tpu.memory_space<semaphore_mem>>) src(%dma_wait3A_63 : memref<4x12288xf32, #tpu.memory_space<hbm>>) dst(%arg5 : memref<4x12288xf32, #tpu.memory_space<vmem>>)
    %dma_start3A_64 = arith.constant 0 : i32
    %dma_start3A_65 = tpu.memref_slice %arg3[%add3A_49, %dma_start3A_64] : memref<1024x12288xf32, #tpu.memory_space<hbm>> -> memref<4x12288xf32, #tpu.memory_space<hbm>>
    %dma_start3A_66 = arith.constant 0 : i32
    %dma_start3A_67 = tpu.memref_slice %arg3[%add3A_49, %dma_start3A_66] : memref<1024x12288xf32, #tpu.memory_space<hbm>> -> memref<4x12288xf32, #tpu.memory_space<hbm>>
    tpu.enqueue_dma source(%arg5 : memref<4x12288xf32, #tpu.memory_space<vmem>>) target(%dma_start3A_67 : memref<4x12288xf32, #tpu.memory_space<hbm>>) target_semaphore(%arg9 : memref<!tpu.dma_semaphore, #tpu.memory_space<semaphore_mem>>)
    %add3A_68 = arith.constant 16 : i32
    %add3A_69 = arith.addi %mul3A_2, %add3A_68 : i32
    %sub3A_70 = arith.constant 8 : i32
    %sub3A_71 = arith.subi %add3A_69, %sub3A_70 : i32
    %dma_wait3A_72 = arith.constant 0 : i32
    %dma_wait3A_73 = tpu.memref_slice %arg3[%sub3A_71, %dma_wait3A_72] : memref<1024x12288xf32, #tpu.memory_space<hbm>> -> memref<4x12288xf32, #tpu.memory_space<hbm>>
    %dma_wait3A_74 = arith.constant 0 : i32
    %dma_wait3A_75 = tpu.memref_slice %arg3[%sub3A_71, %dma_wait3A_74] : memref<1024x12288xf32, #tpu.memory_space<hbm>> -> memref<4x12288xf32, #tpu.memory_space<hbm>>
    tpu.wait_dma2 semaphore(%arg8 : memref<!tpu.dma_semaphore, #tpu.memory_space<semaphore_mem>>) src(%arg4 : memref<4x12288xf32, #tpu.memory_space<vmem>>) dst(%dma_wait3A_75 : memref<4x12288xf32, #tpu.memory_space<hbm>>)
    %dma_start3A_76 = arith.constant 0 : i32
    %dma_start3A_77 = tpu.memref_slice %arg2[%add3A_69, %dma_start3A_76] : memref<1024x32768xf32, #tpu.memory_space<hbm>> -> memref<4x12288xf32, #tpu.memory_space<hbm>>
    %dma_start3A_78 = arith.constant 0 : i32
    %dma_start3A_79 = tpu.memref_slice %arg2[%add3A_69, %dma_start3A_78] : memref<1024x32768xf32, #tpu.memory_space<hbm>> -> memref<4x12288xf32, #tpu.memory_space<hbm>>
    tpu.enqueue_dma source(%dma_start3A_79 : memref<4x12288xf32, #tpu.memory_space<hbm>>) target(%arg4 : memref<4x12288xf32, #tpu.memory_space<vmem>>) target_semaphore(%arg6 : memref<!tpu.dma_semaphore, #tpu.memory_space<semaphore_mem>>)
    %dma_wait3A_80 = arith.constant 0 : i32
    %dma_wait3A_81 = tpu.memref_slice %arg2[%add3A_69, %dma_wait3A_80] : memref<1024x32768xf32, #tpu.memory_space<hbm>> -> memref<4x12288xf32, #tpu.memory_space<hbm>>
    %dma_wait3A_82 = arith.constant 0 : i32
    %dma_wait3A_83 = tpu.memref_slice %arg2[%add3A_69, %dma_wait3A_82] : memref<1024x32768xf32, #tpu.memory_space<hbm>> -> memref<4x12288xf32, #tpu.memory_space<hbm>>
    tpu.wait_dma2 semaphore(%arg6 : memref<!tpu.dma_semaphore, #tpu.memory_space<semaphore_mem>>) src(%dma_wait3A_83 : memref<4x12288xf32, #tpu.memory_space<hbm>>) dst(%arg4 : memref<4x12288xf32, #tpu.memory_space<vmem>>)
    %dma_start3A_84 = arith.constant 0 : i32
    %dma_start3A_85 = tpu.memref_slice %arg3[%add3A_69, %dma_start3A_84] : memref<1024x12288xf32, #tpu.memory_space<hbm>> -> memref<4x12288xf32, #tpu.memory_space<hbm>>
    %dma_start3A_86 = arith.constant 0 : i32
    %dma_start3A_87 = tpu.memref_slice %arg3[%add3A_69, %dma_start3A_86] : memref<1024x12288xf32, #tpu.memory_space<hbm>> -> memref<4x12288xf32, #tpu.memory_space<hbm>>
    tpu.enqueue_dma source(%arg4 : memref<4x12288xf32, #tpu.memory_space<vmem>>) target(%dma_start3A_87 : memref<4x12288xf32, #tpu.memory_space<hbm>>) target_semaphore(%arg8 : memref<!tpu.dma_semaphore, #tpu.memory_space<semaphore_mem>>)
    %add3A_88 = arith.constant 20 : i32
    %add3A_89 = arith.addi %mul3A_2, %add3A_88 : i32
    %sub3A_90 = arith.constant 8 : i32
    %sub3A_91 = arith.subi %add3A_89, %sub3A_90 : i32
    %dma_wait3A_92 = arith.constant 0 : i32
    %dma_wait3A_93 = tpu.memref_slice %arg3[%sub3A_91, %dma_wait3A_92] : memref<1024x12288xf32, #tpu.memory_space<hbm>> -> memref<4x12288xf32, #tpu.memory_space<hbm>>
    %dma_wait3A_94 = arith.constant 0 : i32
    %dma_wait3A_95 = tpu.memref_slice %arg3[%sub3A_91, %dma_wait3A_94] : memref<1024x12288xf32, #tpu.memory_space<hbm>> -> memref<4x12288xf32, #tpu.memory_space<hbm>>
    tpu.wait_dma2 semaphore(%arg9 : memref<!tpu.dma_semaphore, #tpu.memory_space<semaphore_mem>>) src(%arg5 : memref<4x12288xf32, #tpu.memory_space<vmem>>) dst(%dma_wait3A_95 : memref<4x12288xf32, #tpu.memory_space<hbm>>)
    %dma_start3A_96 = arith.constant 0 : i32
    %dma_start3A_97 = tpu.memref_slice %arg2[%add3A_89, %dma_start3A_96] : memref<1024x32768xf32, #tpu.memory_space<hbm>> -> memref<4x12288xf32, #tpu.memory_space<hbm>>
    %dma_start3A_98 = arith.constant 0 : i32
    %dma_start3A_99 = tpu.memref_slice %arg2[%add3A_89, %dma_start3A_98] : memref<1024x32768xf32, #tpu.memory_space<hbm>> -> memref<4x12288xf32, #tpu.memory_space<hbm>>
    tpu.enqueue_dma source(%dma_start3A_99 : memref<4x12288xf32, #tpu.memory_space<hbm>>) target(%arg5 : memref<4x12288xf32, #tpu.memory_space<vmem>>) target_semaphore(%arg7 : memref<!tpu.dma_semaphore, #tpu.memory_space<semaphore_mem>>)
    %dma_wait3A_100 = arith.constant 0 : i32
    %dma_wait3A_101 = tpu.memref_slice %arg2[%add3A_89, %dma_wait3A_100] : memref<1024x32768xf32, #tpu.memory_space<hbm>> -> memref<4x12288xf32, #tpu.memory_space<hbm>>
    %dma_wait3A_102 = arith.constant 0 : i32
    %dma_wait3A_103 = tpu.memref_slice %arg2[%add3A_89, %dma_wait3A_102] : memref<1024x32768xf32, #tpu.memory_space<hbm>> -> memref<4x12288xf32, #tpu.memory_space<hbm>>
    tpu.wait_dma2 semaphore(%arg7 : memref<!tpu.dma_semaphore, #tpu.memory_space<semaphore_mem>>) src(%dma_wait3A_103 : memref<4x12288xf32, #tpu.memory_space<hbm>>) dst(%arg5 : memref<4x12288xf32, #tpu.memory_space<vmem>>)
    %dma_start3A_104 = arith.constant 0 : i32
    %dma_start3A_105 = tpu.memref_slice %arg3[%add3A_89, %dma_start3A_104] : memref<1024x12288xf32, #tpu.memory_space<hbm>> -> memref<4x12288xf32, #tpu.memory_space<hbm>>
    %dma_start3A_106 = arith.constant 0 : i32
    %dma_start3A_107 = tpu.memref_slice %arg3[%add3A_89, %dma_start3A_106] : memref<1024x12288xf32, #tpu.memory_space<hbm>> -> memref<4x12288xf32, #tpu.memory_space<hbm>>
    tpu.enqueue_dma source(%arg5 : memref<4x12288xf32, #tpu.memory_space<vmem>>) target(%dma_start3A_107 : memref<4x12288xf32, #tpu.memory_space<hbm>>) target_semaphore(%arg9 : memref<!tpu.dma_semaphore, #tpu.memory_space<semaphore_mem>>)
    %add3A_108 = arith.constant 24 : i32
    %add3A_109 = arith.addi %mul3A_2, %add3A_108 : i32
    %sub3A_110 = arith.constant 8 : i32
    %sub3A_111 = arith.subi %add3A_109, %sub3A_110 : i32
    %dma_wait3A_112 = arith.constant 0 : i32
    %dma_wait3A_113 = tpu.memref_slice %arg3[%sub3A_111, %dma_wait3A_112] : memref<1024x12288xf32, #tpu.memory_space<hbm>> -> memref<4x12288xf32, #tpu.memory_space<hbm>>
    %dma_wait3A_114 = arith.constant 0 : i32
    %dma_wait3A_115 = tpu.memref_slice %arg3[%sub3A_111, %dma_wait3A_114] : memref<1024x12288xf32, #tpu.memory_space<hbm>> -> memref<4x12288xf32, #tpu.memory_space<hbm>>
    tpu.wait_dma2 semaphore(%arg8 : memref<!tpu.dma_semaphore, #tpu.memory_space<semaphore_mem>>) src(%arg4 : memref<4x12288xf32, #tpu.memory_space<vmem>>) dst(%dma_wait3A_115 : memref<4x12288xf32, #tpu.memory_space<hbm>>)
    %dma_start3A_116 = arith.constant 0 : i32
    %dma_start3A_117 = tpu.memref_slice %arg2[%add3A_109, %dma_start3A_116] : memref<1024x32768xf32, #tpu.memory_space<hbm>> -> memref<4x12288xf32, #tpu.memory_space<hbm>>
    %dma_start3A_118 = arith.constant 0 : i32
    %dma_start3A_119 = tpu.memref_slice %arg2[%add3A_109, %dma_start3A_118] : memref<1024x32768xf32, #tpu.memory_space<hbm>> -> memref<4x12288xf32, #tpu.memory_space<hbm>>
    tpu.enqueue_dma source(%dma_start3A_119 : memref<4x12288xf32, #tpu.memory_space<hbm>>) target(%arg4 : memref<4x12288xf32, #tpu.memory_space<vmem>>) target_semaphore(%arg6 : memref<!tpu.dma_semaphore, #tpu.memory_space<semaphore_mem>>)
    %dma_wait3A_120 = arith.constant 0 : i32
    %dma_wait3A_121 = tpu.memref_slice %arg2[%add3A_109, %dma_wait3A_120] : memref<1024x32768xf32, #tpu.memory_space<hbm>> -> memref<4x12288xf32, #tpu.memory_space<hbm>>
    %dma_wait3A_122 = arith.constant 0 : i32
    %dma_wait3A_123 = tpu.memref_slice %arg2[%add3A_109, %dma_wait3A_122] : memref<1024x32768xf32, #tpu.memory_space<hbm>> -> memref<4x12288xf32, #tpu.memory_space<hbm>>
    tpu.wait_dma2 semaphore(%arg6 : memref<!tpu.dma_semaphore, #tpu.memory_space<semaphore_mem>>) src(%dma_wait3A_123 : memref<4x12288xf32, #tpu.memory_space<hbm>>) dst(%arg4 : memref<4x12288xf32, #tpu.memory_space<vmem>>)
    %dma_start3A_124 = arith.constant 0 : i32
    %dma_start3A_125 = tpu.memref_slice %arg3[%add3A_109, %dma_start3A_124] : memref<1024x12288xf32, #tpu.memory_space<hbm>> -> memref<4x12288xf32, #tpu.memory_space<hbm>>
    %dma_start3A_126 = arith.constant 0 : i32
    %dma_start3A_127 = tpu.memref_slice %arg3[%add3A_109, %dma_start3A_126] : memref<1024x12288xf32, #tpu.memory_space<hbm>> -> memref<4x12288xf32, #tpu.memory_space<hbm>>
    tpu.enqueue_dma source(%arg4 : memref<4x12288xf32, #tpu.memory_space<vmem>>) target(%dma_start3A_127 : memref<4x12288xf32, #tpu.memory_space<hbm>>) target_semaphore(%arg8 : memref<!tpu.dma_semaphore, #tpu.memory_space<semaphore_mem>>)
    %add3A_128 = arith.constant 28 : i32
    %add3A_129 = arith.addi %mul3A_2, %add3A_128 : i32
    %sub3A_130 = arith.constant 8 : i32
    %sub3A_131 = arith.subi %add3A_129, %sub3A_130 : i32
    %dma_wait3A_132 = arith.constant 0 : i32
    %dma_wait3A_133 = tpu.memref_slice %arg3[%sub3A_131, %dma_wait3A_132] : memref<1024x12288xf32, #tpu.memory_space<hbm>> -> memref<4x12288xf32, #tpu.memory_space<hbm>>
    %dma_wait3A_134 = arith.constant 0 : i32
    %dma_wait3A_135 = tpu.memref_slice %arg3[%sub3A_131, %dma_wait3A_134] : memref<1024x12288xf32, #tpu.memory_space<hbm>> -> memref<4x12288xf32, #tpu.memory_space<hbm>>
    tpu.wait_dma2 semaphore(%arg9 : memref<!tpu.dma_semaphore, #tpu.memory_space<semaphore_mem>>) src(%arg5 : memref<4x12288xf32, #tpu.memory_space<vmem>>) dst(%dma_wait3A_135 : memref<4x12288xf32, #tpu.memory_space<hbm>>)
    %dma_start3A_136 = arith.constant 0 : i32
    %dma_start3A_137 = tpu.memref_slice %arg2[%add3A_129, %dma_start3A_136] : memref<1024x32768xf32, #tpu.memory_space<hbm>> -> memref<4x12288xf32, #tpu.memory_space<hbm>>
    %dma_start3A_138 = arith.constant 0 : i32
    %dma_start3A_139 = tpu.memref_slice %arg2[%add3A_129, %dma_start3A_138] : memref<1024x32768xf32, #tpu.memory_space<hbm>> -> memref<4x12288xf32, #tpu.memory_space<hbm>>
    tpu.enqueue_dma source(%dma_start3A_139 : memref<4x12288xf32, #tpu.memory_space<hbm>>) target(%arg5 : memref<4x12288xf32, #tpu.memory_space<vmem>>) target_semaphore(%arg7 : memref<!tpu.dma_semaphore, #tpu.memory_space<semaphore_mem>>)
    %dma_wait3A_140 = arith.constant 0 : i32
    %dma_wait3A_141 = tpu.memref_slice %arg2[%add3A_129, %dma_wait3A_140] : memref<1024x32768xf32, #tpu.memory_space<hbm>> -> memref<4x12288xf32, #tpu.memory_space<hbm>>
    %dma_wait3A_142 = arith.constant 0 : i32
    %dma_wait3A_143 = tpu.memref_slice %arg2[%add3A_129, %dma_wait3A_142] : memref<1024x32768xf32, #tpu.memory_space<hbm>> -> memref<4x12288xf32, #tpu.memory_space<hbm>>
    tpu.wait_dma2 semaphore(%arg7 : memref<!tpu.dma_semaphore, #tpu.memory_space<semaphore_mem>>) src(%dma_wait3A_143 : memref<4x12288xf32, #tpu.memory_space<hbm>>) dst(%arg5 : memref<4x12288xf32, #tpu.memory_space<vmem>>)
    %dma_start3A_144 = arith.constant 0 : i32
    %dma_start3A_145 = tpu.memref_slice %arg3[%add3A_129, %dma_start3A_144] : memref<1024x12288xf32, #tpu.memory_space<hbm>> -> memref<4x12288xf32, #tpu.memory_space<hbm>>
    %dma_start3A_146 = arith.constant 0 : i32
    %dma_start3A_147 = tpu.memref_slice %arg3[%add3A_129, %dma_start3A_146] : memref<1024x12288xf32, #tpu.memory_space<hbm>> -> memref<4x12288xf32, #tpu.memory_space<hbm>>
    tpu.enqueue_dma source(%arg5 : memref<4x12288xf32, #tpu.memory_space<vmem>>) target(%dma_start3A_147 : memref<4x12288xf32, #tpu.memory_space<hbm>>) target_semaphore(%arg9 : memref<!tpu.dma_semaphore, #tpu.memory_space<semaphore_mem>>)
    %add3A_148 = arith.constant 24 : i32
    %add3A_149 = arith.addi %mul3A_2, %add3A_148 : i32
    %dma_wait3A_150 = arith.constant 0 : i32
    %dma_wait3A_151 = tpu.memref_slice %arg3[%add3A_149, %dma_wait3A_150] : memref<1024x12288xf32, #tpu.memory_space<hbm>> -> memref<4x12288xf32, #tpu.memory_space<hbm>>
    %dma_wait3A_152 = arith.constant 0 : i32
    %dma_wait3A_153 = tpu.memref_slice %arg3[%add3A_149, %dma_wait3A_152] : memref<1024x12288xf32, #tpu.memory_space<hbm>> -> memref<4x12288xf32, #tpu.memory_space<hbm>>
    tpu.wait_dma2 semaphore(%arg8 : memref<!tpu.dma_semaphore, #tpu.memory_space<semaphore_mem>>) src(%arg4 : memref<4x12288xf32, #tpu.memory_space<vmem>>) dst(%dma_wait3A_153 : memref<4x12288xf32, #tpu.memory_space<hbm>>)
    %add3A_154 = arith.constant 28 : i32
    %add3A_155 = arith.addi %mul3A_2, %add3A_154 : i32
    %dma_wait3A_156 = arith.constant 0 : i32
    %dma_wait3A_157 = tpu.memref_slice %arg3[%add3A_155, %dma_wait3A_156] : memref<1024x12288xf32, #tpu.memory_space<hbm>> -> memref<4x12288xf32, #tpu.memory_space<hbm>>
    %dma_wait3A_158 = arith.constant 0 : i32
    %dma_wait3A_159 = tpu.memref_slice %arg3[%add3A_155, %dma_wait3A_158] : memref<1024x12288xf32, #tpu.memory_space<hbm>> -> memref<4x12288xf32, #tpu.memory_space<hbm>>
    tpu.wait_dma2 semaphore(%arg9 : memref<!tpu.dma_semaphore, #tpu.memory_space<semaphore_mem>>) src(%arg5 : memref<4x12288xf32, #tpu.memory_space<vmem>>) dst(%dma_wait3A_159 : memref<4x12288xf32, #tpu.memory_space<hbm>>)
    return
  }
}

</mosaic_0001>

<sc_bundles>
// kernel: kernel.3.cloned.1.call-start
scs
__scs_entry_jumppad:
0x0: {  	(pc) =	sbr.rel $0x88, $3  }
0x1: {  	(tag) =	ssettag $0x0;
	lr =	simm.s32 $0x1  }
0x2: {  	[smem:$0x3FA0] =	sst lr;
	_ =	strace $0xD0000000  }
0x3: {  	_ = 	snop  }
0x4: {  	_ = 	snop  }
0x5: {  	_ = 	snop  }
0x6: {  	_ = 	snop  }
0x7: {  	_ = 	snop  }
__scs_overlays_trampoline_lowered:
0x8: {  	[smem:$0x3FAF] =	sst s0  }
0x9: {  	[smem:$0x3FB0] =	sst s1  }
0xa: {  	[smem:$0x3FB1] =	sst s2  }
0xb: {  	[smem:$0x3FB2] =	sst s3  }
0xc: {  	[smem:$0x3FB3] =	sst s4  }
0xd: {  	[smem:$0x3FB4] =	sst s5  }
0xe: {  	[smem:$0x3FB5] =	sst s6  }
0xf: {  	[smem:$0x3FB6] =	sst s7  }
0x10: {  	[smem:$0x3FB7] =	sst s8  }
0x11: {  	[smem:$0x3FB8] =	sst s9;
	s0 =	simm.s32 @!p0 $0x0  }
0x12: {  	s1 =	sld [smem:$0x3F9E];
	s0 =	simm.s32 @p0 $0x1  }
0x13: {  	[smem:$0x3FB9] =	sst s0;
	s0 =	simm.s32 @!p1 $0x0  }
0x14: {  	s2 =	sld [smem:$0x3F9D];
	s0 =	simm.s32 @p1 $0x1  }
0x15: {  	[smem:$0x3FBA] =	sst s0;
	s0 =	simm.s32 @!p2 $0x0  }
0x16: {  	s3 =	sld [smem:$0x3FDB];
	s0 =	simm.s32 @p2 $0x1  }
0x17: {  	s4 =	simm.s32 $0x1BF5;
	[smem:$0x3FBC] =	sst s0  }
0x18: {  	s0 =	sld [smem:$0x3F9F];
	_ =	swait.ge [sflag:s4], $0x0  }
0x19: {  	s7 =	sld [smem:$0x3FA0]  }
0x1a: {  	s8 =	sadd.s32 $0xFFFFE003, lr  }
0x1b: {  	s9 =	sadd.s32 $0xFFFFFEF7, lr;
	s5 =	simm.s32 $0xFFFFFFFF;
	p2 =	slt.u32 s8, $0xFFFFF086  }
0x1c: {  	p1 =	slt.u32 s9, $0xF7A;
	s5 =	simm.s32 @!p2 $0x0  }
0x1d: {  	s5 =	simm.s32 @p1 $0x1;
	p0 =	seq.s32 s7, s2  }
0x1e: {  	s7 =	smul.u32 @!p0 $0xF7A, s2;
	p2 =	seq.s32 @!p0 s5, $0x0  }
0x1f: {  	s9 =	smul.u32 $0xF7A, s1;
	s8 =	simm.s32 @!p0 $0x1BF5;
	p2 =	por !p2, p0  }
0x20: {  	[sflag:s8] =	ssyncset.s32 @!p0 $0xFFFFF086;
	s6 =	sadd.s32 @!p0 s3, s7;
	s7 =	simm.s32 @!p0 $0x108  }
0x21: {  	s3 =	sadd.s32 s3, s9;
	s6 =	sadd.s32 @!p0 $0x88, s6;
	s7 =	simm.s32 @p2 $0x1082  }
0x22: {  	[simem:s7], [sflag:s8] =	dma.local @!p0 [hbm:s6], $0xF7A  }
0x23: {  	s9 =	sor.u32 $0xD0000000, s2;
	s6 =	simm.s32 $0x108;
	_ =	swait.ge @!p0 [sflag:s8], $0x0  }
0x24: {  	s3 =	sadd.s32 $0x88, s3;
	s6 =	simm.s32 @!p1 $0x1082;
	[sflag:s4] =	ssyncset.s32 $0xFFFFF086  }
0x25: {  	[simem:s6], [sflag:s4] =	dma.local [hbm:s3], $0xF7A  }
0x26: {  	[smem:$0x3FA0] =	sst s1;
	(tag) =	ssettag s2;
	_ =	strace s9  }
0x27: {  	s1 =	sld [smem:$0x3FB0]  }
0x28: {  	s2 =	sld [smem:$0x3FB1]  }
0x29: {  	s4 =	sld [smem:$0x3FB3]  }
0x2a: {  	p0 =	seq.s32 s5, $0x0;
	s5 =	sld [smem:$0x3FB4]  }
0x2b: {  	s6 =	sld [smem:$0x3FB5]  }
0x2c: {  	s7 =	sld [smem:$0x3FB6]  }
0x2d: {  	s3 =	simm.s32 $0x108;
	s8 =	sld [smem:$0x3FB7]  }
0x2e: {  	s3 =	simm.s32 @!p0 $0x1082;
	s9 =	sld [smem:$0x3FB8]  }
0x2f: {  	lr =	sadd.s32 s0, s3;
	s0 =	sld [smem:$0x3FAF]  }
0x30: {  	s3 =	sld [smem:$0x3FB2]  }
0x31: {  	[smem:$0x3FBB] =	sst s10  }
0x32: {  	s10 =	sld [smem:$0x3FB9];
	_ =	sdelay $0x3  }
0x33: {  	p0 =	seq.s32 s10, $0x1;
	s10 =	sld [smem:$0x3FBB];
	_ =	sdelay $0x3  }
0x34: {  	[smem:$0x3FBB] =	sst s10  }
0x35: {  	s10 =	sld [smem:$0x3FBA];
	_ =	sdelay $0x3  }
0x36: {  	p1 =	seq.s32 s10, $0x1;
	s10 =	sld [smem:$0x3FBB];
	_ =	sdelay $0x3  }
0x37: {  	[smem:$0x3FBB] =	sst s10  }
0x38: {  	s10 =	sld [smem:$0x3FBC]  }
0x39: {  	_ = 	snop;
	(pc) =	sbr.ind lr, $3  }
0x3a: {  	_ = 	snop  }
0x3b: {  	_ = 	snop  }
0x3c: {  	p2 =	seq.s32 s10, $0x1;
	s10 =	sld [smem:$0x3FBB]  }
0x3d: {  	_ =	shalt  }
0x3e: {  	_ =	shalt  }
0x3f: {  	_ =	shalt  }
0x40: {  	_ =	shalt  }
0x41: {  	_ =	shalt  }
0x42: {  	_ =	shalt  }
0x43: {  	_ =	shalt  }
0x44: {  	_ =	shalt  }
0x45: {  	_ =	shalt  }
0x46: {  	_ =	shalt  }
0x47: {  	_ =	shalt  }
0x48: {  	_ =	shalt  }
0x49: {  	_ =	shalt  }
0x4a: {  	_ =	shalt  }
0x4b: {  	_ =	shalt  }
0x4c: {  	_ =	shalt  }
0x4d: {  	_ =	shalt  }
0x4e: {  	_ =	shalt  }
0x4f: {  	_ =	shalt  }
0x50: {  	_ =	shalt  }
0x51: {  	_ =	shalt  }
0x52: {  	_ =	shalt  }
0x53: {  	_ =	shalt  }
0x54: {  	_ =	shalt  }
0x55: {  	_ =	shalt  }
0x56: {  	_ =	shalt  }
0x57: {  	_ =	shalt  }
0x58: {  	_ =	shalt  }
0x59: {  	_ =	shalt  }
0x5a: {  	_ =	shalt  }
0x5b: {  	_ =	shalt  }
0x5c: {  	_ =	shalt  }
0x5d: {  	_ =	shalt  }
0x5e: {  	_ =	shalt  }
0x5f: {  	_ =	shalt  }
0x60: {  	_ =	shalt  }
0x61: {  	_ =	shalt  }
0x62: {  	_ =	shalt  }
0x63: {  	_ =	shalt  }
0x64: {  	_ =	shalt  }
0x65: {  	_ =	shalt  }
0x66: {  	_ =	shalt  }
0x67: {  	_ =	shalt  }
0x68: {  	_ =	shalt  }
0x69: {  	_ =	shalt  }
0x6a: {  	_ =	shalt  }
0x6b: {  	_ =	shalt  }
0x6c: {  	_ =	shalt  }
0x6d: {  	_ =	shalt  }
0x6e: {  	_ =	shalt  }
0x6f: {  	_ =	shalt  }
0x70: {  	_ =	shalt  }
0x71: {  	_ =	shalt  }
0x72: {  	_ =	shalt  }
0x73: {  	_ =	shalt  }
0x74: {  	_ =	shalt  }
0x75: {  	_ =	shalt  }
0x76: {  	_ =	shalt  }
0x77: {  	_ =	shalt  }
0x78: {  	_ =	shalt  }
0x79: {  	_ =	shalt  }
0x7a: {  	_ =	shalt  }
0x7b: {  	_ =	shalt  }
0x7c: {  	_ =	shalt  }
0x7d: {  	_ =	shalt  }
0x7e: {  	_ =	shalt  }
0x7f: {  	_ =	shalt  }
0x80: {  	_ =	shalt  }
0x81: {  	_ =	shalt  }
0x82: {  	_ =	shalt  }
0x83: {  	_ =	shalt  }
0x84: {  	_ =	shalt  }
0x85: {  	_ =	shalt  }
0x86: {  	_ =	shalt  }
0x87: {  	_ =	shalt  }
.Lfunc_end0:
.L_simem_size_0:
called_computation_lowered:
.L_overlay_start_0:
0x88: {  	s2 =	sld [smem:$0x3FD9]  }
0x89: {  	s3 =	sld [smem:$0x3FFE];
	_ =	sdelay $0x1  }
0x8a: {  	s1 =	srdreg.scid  }
0x8b: {  	s0 =	sand.u32 $0x1, s1  }
0x8c: {  	s18 =	sshll.u32 s0, $0xA;
	s2 =	sadd.s32 s3, s2  }
0x8d: {  	s2 =	sadd.s32 s2, s18  }
0x8e: {  	[smem:$0x3FC7] =	sst s2  }
0x8f: {  	_ = 	snop  }
0x90: {  	s2 =	sld [smem:$0x3FC9]  }
0x91: {  	s19 =	sld [smem:$0x3FD0];
	(tm) =	ssettm $0x1  }
0x92: {  	s4 =	sld [smem:$0x3FFB];
	_ =	sdelay $0x3  }
0x93: {  	_ =	strace s4  }
0x94: {  	s4 =	sld [smem:$0x3FFC];
	_ =	sdelay $0x3  }
0x95: {  	_ =	strace s4  }
0x96: {  	s4 =	sld [smem:$0x3FFD];
	_ =	sdelay $0x3  }
0x97: {  	_ =	strace s4  }
0x98: {  	_ =	strace $0x8FFFFFFF  }
0x99: {  	s20 =	sld [smem:$0x3FDB];
	_ =	sdelay $0x1  }
0x9a: {  	s5 =	simm.s32 $_scs_section_size  }
0x9b: {  	s6 =	simm.s32 $_size__tile_overlayer_lowered;
	s7 =	simm.s32 $_tile_overlayer_lowered  }
0x9c: {  	s23 =	simm.s32 $0x1BFF;
	s22 =	sshll.u32 s7, $0x1;
	s4 =	sadd.s32 s5, s20  }
0x9d: {  	s8 =	simm.s32 $0x0;
	s21 =	sshll.u32 s6, $0x1;
	s6 =	sadd.s32 s22, s4  }
0x9e: {  	[timem:s8], [sflag:s23] =	dma.local [hbm:s6], s21  }
0x9f: {  	_ =	swait.ge [sflag:s23], s21  }
0xa0: {  	s5 =	ssub.s32 $0x0, s21;
	[sflag:s23] =	ssyncset.done $0x0  }
0xa1: {  	[sflag:s23] =	ssyncadd.s32 s5;
	_ =	sdelay $0x1  }
0xa2: {  	s24 =	simm.s32 $0x1B8B  }
0xa3: {  	_ =	swait.ge [sflag:s24], $0x1  }
0xa4: {  	[sflag:s24] =	ssyncset.done $0x0  }
0xa5: {  	s25 =	simm.s32 $0x1B8E;
	[sflag:s24] =	ssyncadd.s32 $0xFFFFFFFF  }
0xa6: {  	s26 =	simm.s32 $execute0_lowered;
	[smem:$0x3FD2] =	sst s25  }
0xa7: {  	s5 =	sshll.u32 s26, $0x1;
	_ =	strace $0x80000046;
	[dreg:$0x1] =	wrdreg $0xFFFFFFFF  }
0xa8: {  	s28 =	simm.s32 $_size_execute0_lowered;
	s4 =	sadd.s32 s4, s5;
	[dreg:$0x0] =	wrdreg $0x0  }
0xa9: {  	s5 =	sshll.u32 s28, $0x1;
	[dreg:$0x2] =	wrdreg s4  }
0xaa: {  	[dreg:$0x3] =	wrdreg s5  }
0xab: {  	[dreg:$0x4] =	wrdreg $0xC0  }
0xac: {  	_ =	task [dreg:s8], $0x5FFFF  }
0xad: {  	[dreg:$0x1] =	wrdreg $0xFFFFFFFF  }
0xae: {  	[dreg:$0x0] =	wrdreg $0x60  }
0xaf: {  	[dreg:$0x2] =	wrdreg s2  }
0xb0: {  	[dreg:$0x3] =	wrdreg s19  }
0xb1: {  	[dreg:$0x4] =	wrdreg $0x9  }
0xb2: {  	_ =	task.clear_ibuf [dreg:s8], $0x5FFFF;
	_ =	strace $0x90000046  }
0xb3: {  	s29 =	simm.s32 $0x9;
	_ =	strace $0x80000048  }
0xb4: {  	_ =	swait.ge [sflag:s29], $0x1  }
0xb5: {  	[sflag:s29] =	ssyncadd.s32 $0xFFFFFFFF  }
0xb6: {  	_ =	strace $0x90000048  }
0xb7: {  	_ =	sfence  }
0xb8: {  	s30 =	sld [smem:$0x0];
	_ =	sdelay $0x2  }
0xb9: {  	s31 =	sshll.u32 s1, $0xD;
	s1 =	sshrl.u32 s1, $0x2  }
0xba: {  	s3 =	sand.u32 $0x4000, s31;
	s1 =	sadd.s32 s1, s30  }
0xbb: {  	s0 =	sor.u32 s3, s0;
	s1 =	sshll.u32 s1, $0x11  }
0xbc: {  	s0 =	sor.u32 s1, s0  }
0xbd: {  	s0 =	sadd.s32 $0x8F2B, s0  }
0xbe: {  	[sflag:s0] =	ssyncadd.remote.s32 $0x1  }
0xbf: {  	_ =	sfence.sel $0xFFFF  }
0xc0: {  	[dreg:$0x0] =	wrdreg $0xFFFFFFFF;
	(pc) =	sbr.abs _section_cstart, $3  }
0xc1: {  	[dreg:$0x1] =	wrdreg $0xFFFFFFFF  }
0xc2: {  	_ =	task.clear_ibuf [dreg:s8], $0x2FFFF;
	_ =	strace $0x9FFFFFFF  }
0xc3: {  	(tm) =	ssettm $0x7FFFFFFF  }
tec
execute0_lowered:
.L_overlay_start_1:
0x0: {  	(tag) =	ssettag $0x1  }
0x1: {  	s1 =	srdreg.scid  }
0x2: {  	s22 =	rddreg [dreg:$0x0];
	s0 =	stileid.u32  }
0x3: {  	s23 =	rddreg [dreg:$0x1];
	s2 =	simm.s32 $0x0;
	s26 =	sand.u32 $0x1, s1  }
0x4: {  	s5 =	simm.s32 $0x400;
	s3 =	sshll.u32 s0, $0x6;
	s4 =	sshll.u32 s26, $0x5  }
0x5: {  	s6 =	simm.s32 $0x1;
	[smem:$0x7FF] =	sst s2;
	s4 =	sor.u32 s4, s3  }
0x6: {  	s1 =	rddreg [dreg:$0x2];
	_ =	strace $0x80000047;
	s8 =	sshll.u32 s4, $0xC  }
0x7: {  	s28 =	sshrl.u32 s4, $0x3;
	s4 =	simm.s32 $0x200;
	s3 =	sadd.s32 s22, s8  }
0x8: {  	[tilespmem:s2], [sflag:$0x1] =	stream.strided.gather [hbm4b:s3+s4], $0xC000, s5, s4, $0x38;
	[tilespmem:$0x18000] =	vst v63  }
0x9: {  	s11 =	smul.u32 $0x3000, s28;
	_ =	swait.ge [sflag:s6], $0xC000  }
0xa: {  	[sflag:s6] =	ssyncset.done $0x0  }
0xb: {  	s24 =	sadd.s32 $0x40, s22;
	s7 =	sadd.s32 s23, s11;
	[sflag:s6] =	ssyncadd.s32 $0xFFFF4000  }
0xc: {  	[hbm4b:s7+s4] =	stream.strided.scatter [tilespmem:s2], [sflag:$0x3], $0xC000, s5, s4, $0x38;
	[tilespmem:$0x18000] =	vst v63  }
0xd: {  	s9 =	simm.s32 $0xC000;
	s10 =	simm.s32 $0x2;
	s8 =	sadd.s32 s8, s24  }
0xe: {  	[tilespmem:s9], [sflag:$0x2] =	stream.strided.gather [hbm4b:s8+s4], $0xC000, s5, s4, $0x38;
	[tilespmem:$0x18000] =	vst v63  }
0xf: {  	_ =	swait.ge [sflag:s10], $0xC000  }
0x10: {  	s25 =	sadd.s32 $0x40, s23;
	[sflag:s10] =	ssyncset.done $0x0  }
0x11: {  	s12 =	simm.s32 $0x3;
	s11 =	sadd.s32 s11, s25;
	[sflag:s10] =	ssyncadd.s32 $0xFFFF4000  }
0x12: {  	[hbm4b:s11+s4] =	stream.strided.scatter [tilespmem:s9], [sflag:$0x4], $0xC000, s5, s4, $0x38;
	[tilespmem:$0x18000] =	vst v63  }
0x13: {  	s14 =	sor.u32 $0x1, s28;
	_ =	swait.ge [sflag:s12], $0xC000  }
0x14: {  	s16 =	sshll.u32 s14, $0xF;
	[sflag:s12] =	ssyncset.done $0x0  }
0x15: {  	s13 =	sadd.s32 s22, s16;
	[sflag:s12] =	ssyncadd.s32 $0xFFFF4000  }
0x16: {  	[tilespmem:s2], [sflag:$0x1] =	stream.strided.gather [hbm4b:s13+s4], $0xC000, s5, s4, $0x38;
	[tilespmem:$0x18000] =	vst v63  }
0x17: {  	s17 =	smul.u32 $0x3000, s14;
	_ =	swait.ge [sflag:s6], $0xC000  }
0x18: {  	[sflag:s6] =	ssyncset.done $0x0  }
0x19: {  	s14 =	simm.s32 $0x4;
	s15 =	sadd.s32 s23, s17;
	[sflag:s6] =	ssyncadd.s32 $0xFFFF4000  }
0x1a: {  	[hbm4b:s15+s4] =	stream.strided.scatter [tilespmem:s2], [sflag:$0x3], $0xC000, s5, s4, $0x38;
	[tilespmem:$0x18000] =	vst v63  }
0x1b: {  	_ =	swait.ge [sflag:s14], $0xC000  }
0x1c: {  	[sflag:s14] =	ssyncset.done $0x0  }
0x1d: {  	s16 =	sadd.s32 s16, s24;
	[sflag:s14] =	ssyncadd.s32 $0xFFFF4000  }
0x1e: {  	[tilespmem:s9], [sflag:$0x2] =	stream.strided.gather [hbm4b:s16+s4], $0xC000, s5, s4, $0x38;
	[tilespmem:$0x18000] =	vst v63  }
0x1f: {  	_ =	swait.ge [sflag:s10], $0xC000  }
0x20: {  	[sflag:s10] =	ssyncset.done $0x0  }
0x21: {  	s17 =	sadd.s32 s17, s25;
	[sflag:s10] =	ssyncadd.s32 $0xFFFF4000  }
0x22: {  	[hbm4b:s17+s4] =	stream.strided.scatter [tilespmem:s9], [sflag:$0x4], $0xC000, s5, s4, $0x38;
	[tilespmem:$0x18000] =	vst v63  }
0x23: {  	s19 =	sor.u32 $0x2, s28;
	_ =	swait.ge [sflag:s12], $0xC000  }
0x24: {  	s20 =	sshll.u32 s19, $0xF;
	[sflag:s12] =	ssyncset.done $0x0  }
0x25: {  	s18 =	sadd.s32 s22, s20;
	[sflag:s12] =	ssyncadd.s32 $0xFFFF4000  }
0x26: {  	[tilespmem:s2], [sflag:$0x1] =	stream.strided.gather [hbm4b:s18+s4], $0xC000, s5, s4, $0x38;
	[tilespmem:$0x18000] =	vst v63  }
0x27: {  	s21 =	smul.u32 $0x3000, s19;
	_ =	swait.ge [sflag:s6], $0xC000  }
0x28: {  	[sflag:s6] =	ssyncset.done $0x0  }
0x29: {  	s19 =	sadd.s32 s23, s21;
	[sflag:s6] =	ssyncadd.s32 $0xFFFF4000  }
0x2a: {  	[hbm4b:s19+s4] =	stream.strided.scatter [tilespmem:s2], [sflag:$0x3], $0xC000, s5, s4, $0x38;
	[tilespmem:$0x18000] =	vst v63  }
0x2b: {  	_ =	swait.ge [sflag:s14], $0xC000  }
0x2c: {  	[sflag:s14] =	ssyncset.done $0x0  }
0x2d: {  	s20 =	sadd.s32 s20, s24;
	[sflag:s14] =	ssyncadd.s32 $0xFFFF4000  }
0x2e: {  	[tilespmem:s9], [sflag:$0x2] =	stream.strided.gather [hbm4b:s20+s4], $0xC000, s5, s4, $0x38;
	[tilespmem:$0x18000] =	vst v63  }
0x2f: {  	_ =	swait.ge [sflag:s10], $0xC000  }
0x30: {  	[sflag:s10] =	ssyncset.done $0x0  }
0x31: {  	s21 =	sadd.s32 s21, s25;
	[sflag:s10] =	ssyncadd.s32 $0xFFFF4000  }
0x32: {  	[hbm4b:s21+s4] =	stream.strided.scatter [tilespmem:s9], [sflag:$0x4], $0xC000, s5, s4, $0x38;
	[tilespmem:$0x18000] =	vst v63  }
0x33: {  	s28 =	sor.u32 $0x3, s28;
	_ =	swait.ge [sflag:s12], $0xC000  }
0x34: {  	s29 =	sshll.u32 s28, $0xF;
	[sflag:s12] =	ssyncset.done $0x0  }
0x35: {  	s22 =	sadd.s32 s22, s29;
	[sflag:s12] =	ssyncadd.s32 $0xFFFF4000  }
0x36: {  	[tilespmem:s2], [sflag:$0x1] =	stream.strided.gather [hbm4b:s22+s4], $0xC000, s5, s4, $0x38;
	[tilespmem:$0x18000] =	vst v63  }
0x37: {  	s28 =	smul.u32 $0x3000, s28;
	_ =	swait.ge [sflag:s6], $0xC000  }
0x38: {  	[sflag:s6] =	ssyncset.done $0x0  }
0x39: {  	s23 =	sadd.s32 s23, s28;
	[sflag:s6] =	ssyncadd.s32 $0xFFFF4000  }
0x3a: {  	[hbm4b:s23+s4] =	stream.strided.scatter [tilespmem:s2], [sflag:$0x3], $0xC000, s5, s4, $0x38;
	[tilespmem:$0x18000] =	vst v63  }
0x3b: {  	_ =	swait.ge [sflag:s14], $0xC000  }
0x3c: {  	s26 =	ssub.s32 $0x2, s26;
	[sflag:s14] =	ssyncset.done $0x0  }
0x3d: {  	s31 =	sshrl.u32 s26, $0x1;
	s24 =	sadd.s32 s29, s24;
	[sflag:s14] =	ssyncadd.s32 $0xFFFF4000  }
0x3e: {  	[tilespmem:s9], [sflag:$0x2] =	stream.strided.gather [hbm4b:s24+s4], $0xC000, s5, s4, $0x38;
	[tilespmem:$0x18000] =	vst v63  }
0x3f: {  	s26 =	ssub.s32 s26, s31;
	_ =	swait.ge [sflag:s10], $0xC000  }
0x40: {  	s26 =	smax.u32 s26, $0x1;
	[sflag:s10] =	ssyncset.done $0x0  }
0x41: {  	p0 =	sne.s32 s26, $0x1;
	s25 =	sadd.s32 s28, s25;
	[sflag:s10] =	ssyncadd.s32 $0xFFFF4000  }
0x42: {  	[hbm4b:s25+s4] =	stream.strided.scatter [tilespmem:s9], [sflag:$0x4], $0xC000, s5, s4, $0x38;
	[tilespmem:$0x18000] =	vst v63  }
.Ltmp0:
0x43: {  	_ =	swait.ge [sflag:s12], $0xC000;
	(pc) =	sbr.rel @!p0 .LBB2_2-.Ltmp0, $4  }
0x44: {  	[sflag:s12] =	ssyncset.done $0x0  }
0x45: {  	[sflag:s12] =	ssyncadd.s32 $0xFFFF4000  }
0x46: {  	_ =	swait.ge [sflag:s14], $0xC000  }
0x47: {  	s26 =	sadd.s32 $0xFFFFFFFF, s26;
	[sflag:s14] =	ssyncset.done $0x0  }
.LBB2_1:
0x48: {  	p0 =	sne.s32 s26, $0x1;
	s26 =	sadd.s32 $0xFFFFFFFF, s26;
	[sflag:s14] =	ssyncadd.s32 $0xFFFF4000  }
0x49: {  	[tilespmem:s2], [sflag:$0x1] =	stream.strided.gather [hbm4b:s3+s4], $0xC000, s5, s4, $0x38;
	[tilespmem:$0x18000] =	vst v63  }
0x4a: {  	_ =	swait.ge [sflag:s6], $0xC000  }
0x4b: {  	[sflag:s6] =	ssyncset.done $0x0  }
0x4c: {  	[sflag:s6] =	ssyncadd.s32 $0xFFFF4000  }
0x4d: {  	[hbm4b:s7+s4] =	stream.strided.scatter [tilespmem:s2], [sflag:$0x3], $0xC000, s5, s4, $0x38;
	[tilespmem:$0x18000] =	vst v63  }
0x4e: {  	_ = 	snop  }
0x4f: {  	[tilespmem:s9], [sflag:$0x2] =	stream.strided.gather [hbm4b:s8+s4], $0xC000, s5, s4, $0x38;
	[tilespmem:$0x18000] =	vst v63  }
0x50: {  	_ =	swait.ge [sflag:s10], $0xC000  }
0x51: {  	[sflag:s10] =	ssyncset.done $0x0  }
0x52: {  	[sflag:s10] =	ssyncadd.s32 $0xFFFF4000  }
0x53: {  	[hbm4b:s11+s4] =	stream.strided.scatter [tilespmem:s9], [sflag:$0x4], $0xC000, s5, s4, $0x38;
	[tilespmem:$0x18000] =	vst v63  }
0x54: {  	_ =	swait.ge [sflag:s12], $0xC000  }
0x55: {  	[sflag:s12] =	ssyncset.done $0x0  }
0x56: {  	[sflag:s12] =	ssyncadd.s32 $0xFFFF4000  }
0x57: {  	[tilespmem:s2], [sflag:$0x1] =	stream.strided.gather [hbm4b:s13+s4], $0xC000, s5, s4, $0x38;
	[tilespmem:$0x18000] =	vst v63  }
0x58: {  	_ =	swait.ge [sflag:s6], $0xC000  }
0x59: {  	[sflag:s6] =	ssyncset.done $0x0  }
0x5a: {  	[sflag:s6] =	ssyncadd.s32 $0xFFFF4000  }
0x5b: {  	[hbm4b:s15+s4] =	stream.strided.scatter [tilespmem:s2], [sflag:$0x3], $0xC000, s5, s4, $0x38;
	[tilespmem:$0x18000] =	vst v63  }
0x5c: {  	_ =	swait.ge [sflag:s14], $0xC000  }
0x5d: {  	[sflag:s14] =	ssyncset.done $0x0  }
0x5e: {  	[sflag:s14] =	ssyncadd.s32 $0xFFFF4000  }
0x5f: {  	[tilespmem:s9], [sflag:$0x2] =	stream.strided.gather [hbm4b:s16+s4], $0xC000, s5, s4, $0x38;
	[tilespmem:$0x18000] =	vst v63  }
0x60: {  	_ =	swait.ge [sflag:s10], $0xC000  }
0x61: {  	[sflag:s10] =	ssyncset.done $0x0  }
0x62: {  	[sflag:s10] =	ssyncadd.s32 $0xFFFF4000  }
0x63: {  	[hbm4b:s17+s4] =	stream.strided.scatter [tilespmem:s9], [sflag:$0x4], $0xC000, s5, s4, $0x38;
	[tilespmem:$0x18000] =	vst v63  }
0x64: {  	_ =	swait.ge [sflag:s12], $0xC000  }
0x65: {  	[sflag:s12] =	ssyncset.done $0x0  }
0x66: {  	[sflag:s12] =	ssyncadd.s32 $0xFFFF4000  }
0x67: {  	[tilespmem:s2], [sflag:$0x1] =	stream.strided.gather [hbm4b:s18+s4], $0xC000, s5, s4, $0x38;
	[tilespmem:$0x18000] =	vst v63  }
0x68: {  	_ =	swait.ge [sflag:s6], $0xC000  }
0x69: {  	[sflag:s6] =	ssyncset.done $0x0  }
0x6a: {  	[sflag:s6] =	ssyncadd.s32 $0xFFFF4000  }
0x6b: {  	[hbm4b:s19+s4] =	stream.strided.scatter [tilespmem:s2], [sflag:$0x3], $0xC000, s5, s4, $0x38;
	[tilespmem:$0x18000] =	vst v63  }
0x6c: {  	_ =	swait.ge [sflag:s14], $0xC000  }
0x6d: {  	[sflag:s14] =	ssyncset.done $0x0  }
0x6e: {  	[sflag:s14] =	ssyncadd.s32 $0xFFFF4000  }
0x6f: {  	[tilespmem:s9], [sflag:$0x2] =	stream.strided.gather [hbm4b:s20+s4], $0xC000, s5, s4, $0x38;
	[tilespmem:$0x18000] =	vst v63  }
0x70: {  	_ =	swait.ge [sflag:s10], $0xC000  }
0x71: {  	[sflag:s10] =	ssyncset.done $0x0  }
0x72: {  	[sflag:s10] =	ssyncadd.s32 $0xFFFF4000  }
0x73: {  	[hbm4b:s21+s4] =	stream.strided.scatter [tilespmem:s9], [sflag:$0x4], $0xC000, s5, s4, $0x38;
	[tilespmem:$0x18000] =	vst v63  }
0x74: {  	_ =	swait.ge [sflag:s12], $0xC000  }
0x75: {  	[sflag:s12] =	ssyncset.done $0x0  }
0x76: {  	[sflag:s12] =	ssyncadd.s32 $0xFFFF4000  }
0x77: {  	[tilespmem:s2], [sflag:$0x1] =	stream.strided.gather [hbm4b:s22+s4], $0xC000, s5, s4, $0x38;
	[tilespmem:$0x18000] =	vst v63  }
0x78: {  	_ =	swait.ge [sflag:s6], $0xC000  }
0x79: {  	[sflag:s6] =	ssyncset.done $0x0  }
0x7a: {  	[sflag:s6] =	ssyncadd.s32 $0xFFFF4000  }
0x7b: {  	[hbm4b:s23+s4] =	stream.strided.scatter [tilespmem:s2], [sflag:$0x3], $0xC000, s5, s4, $0x38;
	[tilespmem:$0x18000] =	vst v63  }
0x7c: {  	_ =	swait.ge [sflag:s14], $0xC000  }
0x7d: {  	[sflag:s14] =	ssyncset.done $0x0  }
0x7e: {  	[sflag:s14] =	ssyncadd.s32 $0xFFFF4000  }
0x7f: {  	[tilespmem:s9], [sflag:$0x2] =	stream.strided.gather [hbm4b:s24+s4], $0xC000, s5, s4, $0x38;
	[tilespmem:$0x18000] =	vst v63  }
0x80: {  	_ =	swait.ge [sflag:s10], $0xC000  }
0x81: {  	[sflag:s10] =	ssyncset.done $0x0  }
0x82: {  	[sflag:s10] =	ssyncadd.s32 $0xFFFF4000  }
0x83: {  	[hbm4b:s25+s4] =	stream.strided.scatter [tilespmem:s9], [sflag:$0x4], $0xC000, s5, s4, $0x38;
	[tilespmem:$0x18000] =	vst v63  }
.Ltmp1:
0x84: {  	_ =	swait.ge [sflag:s12], $0xC000;
	(pc) =	sbr.rel @p0 .LBB2_1-.Ltmp1, $4  }
0x85: {  	[sflag:s12] =	ssyncset.done $0x0  }
0x86: {  	[sflag:s12] =	ssyncadd.s32 $0xFFFF4000  }
0x87: {  	_ =	swait.ge [sflag:s14], $0xC000  }
0x88: {  	[sflag:s14] =	ssyncset.done $0x0  }
.LBB2_2:
0x89: {  	[sflag:s14] =	ssyncadd.s32 $0xFFFF4000  }
0x8a: {  	_ =	sfence.sel $0x180000  }
0x8b: {  	[bflag:$0x0] =	sbarrier.arrive $0xFFFF  }
0x8c: {  	p0 =	sne.s32 s0, $0x0;
	_ =	strace $0x90000047  }
0x8d: {  	s0 =	sadd.s32 @!p0 $0x100000, s1;
	[bflag:$0x2] =	sbarrier.arrive $0xFFFF  }
0x8e: {  	[sflag:s0] =	ssyncadd.tile.s32 @!p0 $0x1;
	_ =	shalt  }
.Lfunc_end2:
_tile_overlayer_lowered:
.L_overlay_start_2:
0x8f: {  	(tag) =	ssettag $0x2  }
0x90: {  	s0 =	rddreg [dreg:$0x0];
	s2 =	stileid.u32  }
0x91: {  	s1 =	rddreg [dreg:$0x1];
	p0 =	sne.s32 s2, $0x0  }
0x92: {  	s3 =	rddreg [dreg:$0x2];
	[bflag:$0x3] =	sbarrier.arrive $0xFFFF;
	s2 =	simm.s32 @!p0 $0x1C05  }
0x93: {  	[timem:s3], [sflag:s2] =	dma.local @!p0 [hbm:s0], s1  }
0x94: {  	s0 =	simm.s32 @!p0 $0x5  }
0x95: {  	_ =	swait.ge @!p0 [sflag:s0], s1  }
0x96: {  	s1 =	ssub.s32 @!p0 $0x0, s1;
	[sflag:s0] =	ssyncset.done @!p0 $0x0  }
0x97: {  	[sflag:s0] =	ssyncadd.s32 @!p0 s1  }
0x98: {  	[bflag:$0x3] =	sbarrier.arrive $0xFFFF  }
0x99: {  	_ =	shalt  }

</sc_bundles>
